<compile_context>
chip_gen: v7x
topology: tpu7x:2x2x1
jax: 0.10.2.dev20260603
libtpu: 0.0.44.dev20260713+nightly
codegen_flags: <defaults>
</compile_context>

<pallas_src>
import functools

import jax
import jax.numpy as jnp
from jax import lax
from jax.experimental import pallas as pl
from jax.experimental.pallas import tpu as pltpu
from jax.experimental.pallas import tpu_sc as plsc

_NC = 2
_NS = 16
_L = 16
_NW = _NC * _NS


@functools.partial(jax.jit, static_argnames=("n", "e", "d"))
def _midpoints(data2, eidx, *, n, e, d):
    rows_per_w = d // _NW
    mesh = plsc.VectorSubcoreMesh(core_axis_name="c", subcore_axis_name="s")

    @functools.partial(
        pl.kernel,
        out_type=jax.ShapeDtypeStruct((d, n + e), jnp.float32),
        mesh=mesh,
        scratch_types=[
            pltpu.VMEM((e,), jnp.int32),
            pltpu.VMEM((n,), jnp.float32),
            pltpu.VMEM((n,), jnp.float32),
            pltpu.VMEM((n + e,), jnp.float32),
            pltpu.VMEM((n + e,), jnp.float32),
            pltpu.SemaphoreType.DMA,
            pltpu.SemaphoreType.DMA,
            pltpu.SemaphoreType.DMA,
            pltpu.SemaphoreType.DMA,
        ],
        compiler_params=pltpu.CompilerParams(needs_layout_passes=False),
    )
    def k(data_hbm, eidx_hbm, out_hbm,
          idx_v, row0_v, row1_v, ob0_v, ob1_v,
          sem_in0, sem_in1, sem_out0, sem_out1):
        wid = lax.axis_index("s") * _NC + lax.axis_index("c")
        base = wid * rows_per_w
        rows = (row0_v, row1_v)
        obs = (ob0_v, ob1_v)
        sems_in = (sem_in0, sem_in1)
        sems_out = (sem_out0, sem_out1)

        pltpu.async_copy(data_hbm.at[base], row0_v, sem_in0)
        pltpu.async_copy(data_hbm.at[base + 1], row1_v, sem_in1)
        idx_cp = pltpu.async_copy(eidx_hbm, idx_v, sem_out0)

        @plsc.parallel_loop(0, n // _L, 1, unroll=8)
        def _(i):
            ob0_v[pl.ds(i * _L, _L)] = jnp.zeros((_L,), jnp.float32)
            ob1_v[pl.ds(i * _L, _L)] = jnp.zeros((_L,), jnp.float32)

        idx_cp.wait()

        @pl.loop(0, rows_per_w, step=2)
        def _(r):
            for b in (0, 1):
                ridx = base + r + b
                row_v = rows[b]
                ob_v = obs[b]
                pltpu.make_async_copy(data_hbm.at[ridx], row_v,
                                      sems_in[b]).wait()

                @pl.when(r >= 2)
                def _():
                    pltpu.make_async_copy(ob_v, out_hbm.at[ridx - 2],
                                          sems_out[b]).wait()

                @plsc.parallel_loop(0, e // _L, 1, unroll=8)
                def _(j):
                    s = j * _L
                    p = idx_v[pl.ds(s, _L)]
                    i0 = jnp.bitwise_and(p, 0xFFFF)
                    i1 = lax.shift_right_logical(p, 16)
                    v0 = plsc.load_gather(row_v, [i0])
                    v1 = plsc.load_gather(row_v, [i1])
                    ob_v[pl.ds(n + s, _L)] = (v0 + v1) * 0.5

                @pl.when(r + 2 < rows_per_w)
                def _():
                    pltpu.async_copy(data_hbm.at[ridx + 2], row_v,
                                     sems_in[b])

                pltpu.async_copy(ob_v, out_hbm.at[ridx], sems_out[b])

        for b in (0, 1):
            pltpu.make_async_copy(
                obs[b], out_hbm.at[base + rows_per_w - 2 + b],
                sems_out[b]).wait()

    return k(data2, eidx)


def kernel(data, edges):
    b, c, n = data.shape
    e = edges.shape[0]
    d = b * c
    data2 = data.reshape(d, n)
    eidx = edges[:, 0] | (edges[:, 1] << 16)
    out2 = _midpoints(data2, eidx, n=n, e=e, d=d)
    return out2.reshape(b, c, n + e)

# --- scband reference (transcript-rebuilt; emitter-appended) ---
"""Pipeline reference for scband-up-sampling-45019847197062 (READ-ONLY COPY).

The authoritative reference and input builder live on the scoring server;
editing this copy changes nothing except your own understanding.
"""

import jax, jax.numpy as jnp
import numpy as np


def setup_inputs(seed: int = 0) -> dict:
    key = jax.random.key(seed)
    k1, k2 = jax.random.split(key)
    B, C, N = 4, 256, 16384
    E = 16384
    data = jax.random.normal(k1, (B, C, N), dtype=jnp.float32)
    # Precomputed unique-edge list (the original module's python loop over
    # triangles dedupes edges; here the dedup result is materialized as an
    # integer constant tensor of edge endpoint pairs).
    edges = jax.random.randint(k2, (E, 2), 0, N, dtype=jnp.int32)
    return {"data": data, "edges": edges}


def reference(data, edges):
    # data: [B, C, N] vertex features; edges: [E, 2] endpoint indices < N.
    # Output: [B, C, N + E]; slots [0, N) stay zero (faithful to original,
    # which only writes midpoints at positions N + cnt), slots [N, N+E) get
    # the edge midpoints (p0 + p1) / 2.
    B, C, N = data.shape
    E = edges.shape[0]
    mid = (jnp.take(data, edges[:, 0], axis=2) + jnp.take(data, edges[:, 1], axis=2)) * 0.5
    out = jnp.zeros((B, C, N + E), dtype=data.dtype)
    out = out.at[:, :, N + jnp.arange(E)].set(mid)
    return out

if __name__ == "__main__":
    import jax
    _d = setup_inputs()
    print(jax.jit(kernel)(*tuple(_d.values())))

</pallas_src>

<mosaic_0001>
#map = affine_map<(d0, d1) -> (0, 0)>
#map1 = affine_map<(d0, d1) -> (0)>
module attributes {stable_mosaic.version = 14 : i64} {
  func.func @k(%arg0: i32, %arg1: i32, %arg2: memref<1024x16384xf32, #tpu.memory_space<hbm>>, %arg3: memref<16384xi32, #tpu.memory_space<hbm>>, %arg4: memref<1024x32768xf32, #tpu.memory_space<hbm>>, %arg5: memref<16384xi32, #tpu.memory_space<vmem>>, %arg6: memref<16384xf32, #tpu.memory_space<vmem>>, %arg7: memref<16384xf32, #tpu.memory_space<vmem>>, %arg8: memref<32768xf32, #tpu.memory_space<vmem>>, %arg9: memref<32768xf32, #tpu.memory_space<vmem>>, %arg10: memref<!tpu.dma_semaphore, #tpu.memory_space<semaphore_mem>>, %arg11: memref<!tpu.dma_semaphore, #tpu.memory_space<semaphore_mem>>, %arg12: memref<!tpu.dma_semaphore, #tpu.memory_space<semaphore_mem>>, %arg13: memref<!tpu.dma_semaphore, #tpu.memory_space<semaphore_mem>>) attributes {dimension_semantics = [#tpu.dimension_semantics<core_parallel>, #tpu.dimension_semantics<subcore_parallel>], iteration_bounds = array<i64: 2, 16>, scalar_prefetch = 0 : i64, scratch_operands = 9 : i64, tpu.core_type = #tpu.core_type<sc_vector_subcore>, window_params = [{transform_indices = #map}, {transform_indices = #map1}, {transform_indices = #map}]} {
    %mul3A = arith.constant 2 : i32
    %mul3A_0 = arith.muli %arg1, %mul3A : i32
    %add3A = arith.addi %mul3A_0, %arg0 : i32
    %mul3A_1 = arith.constant 32 : i32
    %mul3A_2 = arith.muli %add3A, %mul3A_1 : i32
    %dma_start3A = arith.constant 0 : i32
    %dma_start3A_3 = tpu.memref_slice %arg2[%mul3A_2, %dma_start3A] : memref<1024x16384xf32, #tpu.memory_space<hbm>> -> memref<1x16384xf32, #tpu.memory_space<hbm>>
    %dma_start3A_4 = tpu.memref_squeeze %dma_start3A_3 : memref<1x16384xf32, #tpu.memory_space<hbm>> -> memref<16384xf32, #tpu.memory_space<hbm>>
    %dma_start3A_5 = arith.constant 0 : i32
    %dma_start3A_6 = tpu.memref_slice %arg2[%mul3A_2, %dma_start3A_5] : memref<1024x16384xf32, #tpu.memory_space<hbm>> -> memref<1x16384xf32, #tpu.memory_space<hbm>>
    %dma_start3A_7 = tpu.memref_squeeze %dma_start3A_6 : memref<1x16384xf32, #tpu.memory_space<hbm>> -> memref<16384xf32, #tpu.memory_space<hbm>>
    tpu.enqueue_dma source(%dma_start3A_7 : memref<16384xf32, #tpu.memory_space<hbm>>) target(%arg6 : memref<16384xf32, #tpu.memory_space<vmem>>) target_semaphore(%arg10 : memref<!tpu.dma_semaphore, #tpu.memory_space<semaphore_mem>>)
    %add3A_8 = arith.constant 1 : i32
    %add3A_9 = arith.addi %mul3A_2, %add3A_8 : i32
    %dma_start3A_10 = arith.constant 0 : i32
    %dma_start3A_11 = tpu.memref_slice %arg2[%add3A_9, %dma_start3A_10] : memref<1024x16384xf32, #tpu.memory_space<hbm>> -> memref<1x16384xf32, #tpu.memory_space<hbm>>
    %dma_start3A_12 = tpu.memref_squeeze %dma_start3A_11 : memref<1x16384xf32, #tpu.memory_space<hbm>> -> memref<16384xf32, #tpu.memory_space<hbm>>
    %dma_start3A_13 = arith.constant 0 : i32
    %dma_start3A_14 = tpu.memref_slice %arg2[%add3A_9, %dma_start3A_13] : memref<1024x16384xf32, #tpu.memory_space<hbm>> -> memref<1x16384xf32, #tpu.memory_space<hbm>>
    %dma_start3A_15 = tpu.memref_squeeze %dma_start3A_14 : memref<1x16384xf32, #tpu.memory_space<hbm>> -> memref<16384xf32, #tpu.memory_space<hbm>>
    tpu.enqueue_dma source(%dma_start3A_15 : memref<16384xf32, #tpu.memory_space<hbm>>) target(%arg7 : memref<16384xf32, #tpu.memory_space<vmem>>) target_semaphore(%arg11 : memref<!tpu.dma_semaphore, #tpu.memory_space<semaphore_mem>>)
    tpu.enqueue_dma source(%arg3 : memref<16384xi32, #tpu.memory_space<hbm>>) target(%arg5 : memref<16384xi32, #tpu.memory_space<vmem>>) target_semaphore(%arg12 : memref<!tpu.dma_semaphore, #tpu.memory_space<semaphore_mem>>)
    %parallel_loop3A = arith.constant 0 : i32
    %parallel_loop3A_16 = arith.constant 1024 : i32
    %parallel_loop3A_17 = arith.constant 1 : i32
    scf.for %parallel_loop3A_44 = %parallel_loop3A to %parallel_loop3A_16 step %parallel_loop3A_17  : i32 {
      %parallel_loop3A_45 = arith.constant 0.000000e+00 : f32
      %parallel_loop3A_46 = vector.broadcast %parallel_loop3A_45 : f32 to vector<16xf32>
      %parallel_loop3A_47 = arith.constant 16 : i32
      %parallel_loop3A_48 = arith.muli %parallel_loop3A_44, %parallel_loop3A_47 : i32
      %parallel_loop3A_49 = arith.index_cast %parallel_loop3A_48 : i32 to index
      %parallel_loop3A_50 = tpu.vector_load %arg8[%parallel_loop3A_49] {strides = array<i32>} : memref<32768xf32, #tpu.memory_space<vmem>>, vector<16xf32>,
      tpu.vector_store %arg8[%parallel_loop3A_49], %parallel_loop3A_46 {strides = array<i32>} : memref<32768xf32, #tpu.memory_space<vmem>>, vector<16xf32>,
      %parallel_loop3A_51 = arith.constant 0.000000e+00 : f32
      %parallel_loop3A_52 = vector.broadcast %parallel_loop3A_51 : f32 to vector<16xf32>
      %parallel_loop3A_53 = arith.constant 16 : i32
      %parallel_loop3A_54 = arith.muli %parallel_loop3A_44, %parallel_loop3A_53 : i32
      %parallel_loop3A_55 = arith.index_cast %parallel_loop3A_54 : i32 to index
      %parallel_loop3A_56 = tpu.vector_load %arg9[%parallel_loop3A_55] {strides = array<i32>} : memref<32768xf32, #tpu.memory_space<vmem>>, vector<16xf32>,
      tpu.vector_store %arg9[%parallel_loop3A_55], %parallel_loop3A_52 {strides = array<i32>} : memref<32768xf32, #tpu.memory_space<vmem>>, vector<16xf32>,
    } {sc.loop_unroll_factor = 8 : i64, sc.parallel_access}
    tpu.wait_dma2 semaphore(%arg12 : memref<!tpu.dma_semaphore, #tpu.memory_space<semaphore_mem>>) src(%arg3 : memref<16384xi32, #tpu.memory_space<hbm>>) dst(%arg5 : memref<16384xi32, #tpu.memory_space<vmem>>)
    %scan3A = arith.constant 0 : i32
    %scan3A_18 = arith.constant 16 : i32
    %scan3A_19 = arith.addi %scan3A, %scan3A_18 : i32
    %scan3A_20 = arith.constant 1 : i32
    scf.for %scan3A_44 = %scan3A to %scan3A_19 step %scan3A_20  : i32 {
      %mul3A_45 = arith.constant 2 : i32
      %mul3A_46 = arith.muli %scan3A_44, %mul3A_45 : i32
      %add3A_47 = arith.constant 0 : i32
      %add3A_48 = arith.addi %add3A_47, %mul3A_46 : i32
      %add3A_49 = arith.addi %mul3A_2, %add3A_48 : i32
      %add3A_50 = arith.constant 0 : i32
      %add3A_51 = arith.addi %add3A_49, %add3A_50 : i32
      %dma_wait3A_52 = arith.constant 0 : i32
      %dma_wait3A_53 = tpu.memref_slice %arg2[%add3A_51, %dma_wait3A_52] : memref<1024x16384xf32, #tpu.memory_space<hbm>> -> memref<1x16384xf32, #tpu.memory_space<hbm>>
      %dma_wait3A_54 = tpu.memref_squeeze %dma_wait3A_53 : memref<1x16384xf32, #tpu.memory_space<hbm>> -> memref<16384xf32, #tpu.memory_space<hbm>>
      %dma_wait3A_55 = arith.constant 0 : i32
      %dma_wait3A_56 = tpu.memref_slice %arg2[%add3A_51, %dma_wait3A_55] : memref<1024x16384xf32, #tpu.memory_space<hbm>> -> memref<1x16384xf32, #tpu.memory_space<hbm>>
      %dma_wait3A_57 = tpu.memref_squeeze %dma_wait3A_56 : memref<1x16384xf32, #tpu.memory_space<hbm>> -> memref<16384xf32, #tpu.memory_space<hbm>>
      tpu.wait_dma2 semaphore(%arg10 : memref<!tpu.dma_semaphore, #tpu.memory_space<semaphore_mem>>) src(%dma_wait3A_57 : memref<16384xf32, #tpu.memory_space<hbm>>) dst(%arg6 : memref<16384xf32, #tpu.memory_space<vmem>>)
      %ge3A = arith.constant 2 : i32
      %ge3A_58 = arith.cmpi sge, %add3A_48, %ge3A : i32
      %convert_element_type3A = arith.extui %ge3A_58 : i1 to i32
      %cond3A = arith.constant 0 : i32
      %cond3A_59 = arith.cmpi ne, %convert_element_type3A, %cond3A : i32
      scf.if %cond3A_59 {
        %sub3A_105 = arith.constant 2 : i32
        %sub3A_106 = arith.subi %add3A_51, %sub3A_105 : i32
        %dma_wait3A_107 = arith.constant 0 : i32
        %dma_wait3A_108 = tpu.memref_slice %arg4[%sub3A_106, %dma_wait3A_107] : memref<1024x32768xf32, #tpu.memory_space<hbm>> -> memref<1x32768xf32, #tpu.memory_space<hbm>>
        %dma_wait3A_109 = tpu.memref_squeeze %dma_wait3A_108 : memref<1x32768xf32, #tpu.memory_space<hbm>> -> memref<32768xf32, #tpu.memory_space<hbm>>
        %dma_wait3A_110 = arith.constant 0 : i32
        %dma_wait3A_111 = tpu.memref_slice %arg4[%sub3A_106, %dma_wait3A_110] : memref<1024x32768xf32, #tpu.memory_space<hbm>> -> memref<1x32768xf32, #tpu.memory_space<hbm>>
        %dma_wait3A_112 = tpu.memref_squeeze %dma_wait3A_111 : memref<1x32768xf32, #tpu.memory_space<hbm>> -> memref<32768xf32, #tpu.memory_space<hbm>>
        tpu.wait_dma2 semaphore(%arg12 : memref<!tpu.dma_semaphore, #tpu.memory_space<semaphore_mem>>) src(%arg8 : memref<32768xf32, #tpu.memory_space<vmem>>) dst(%dma_wait3A_112 : memref<32768xf32, #tpu.memory_space<hbm>>)
      } else {
      }
      %parallel_loop3A_60 = arith.constant 0 : i32
      %parallel_loop3A_61 = arith.constant 1024 : i32
      %parallel_loop3A_62 = arith.constant 1 : i32
      scf.for %parallel_loop3A_105 = %parallel_loop3A_60 to %parallel_loop3A_61 step %parallel_loop3A_62  : i32 {
        %parallel_loop3A_106 = arith.constant 16 : i32
        %parallel_loop3A_107 = arith.muli %parallel_loop3A_105, %parallel_loop3A_106 : i32
        %parallel_loop3A_108 = arith.index_cast %parallel_loop3A_107 : i32 to index
        %parallel_loop3A_109 = tpu.vector_load %arg5[%parallel_loop3A_108] {strides = array<i32>} : memref<16384xi32, #tpu.memory_space<vmem>>, vector<16xi32>,
        %parallel_loop3A_110 = arith.constant 65535 : i32
        %parallel_loop3A_111 = vector.broadcast %parallel_loop3A_110 : i32 to vector<16xi32>
        %parallel_loop3A_112 = arith.andi %parallel_loop3A_109, %parallel_loop3A_111 : vector<16xi32>
        %parallel_loop3A_113 = arith.constant 16 : i32
        %parallel_loop3A_114 = vector.broadcast %parallel_loop3A_113 : i32 to vector<16xi32>
        %parallel_loop3A_115 = arith.shrui %parallel_loop3A_109, %parallel_loop3A_114 : vector<16xi32>
        %parallel_loop3A_116 = tpu.vector_load_idx %arg6[%parallel_loop3A_112] : memref<16384xf32, #tpu.memory_space<vmem>>[vector<16xi32>], vector<16xf32>,
        %parallel_loop3A_117 = tpu.vector_load_idx %arg6[%parallel_loop3A_115] : memref<16384xf32, #tpu.memory_space<vmem>>[vector<16xi32>], vector<16xf32>,
        %parallel_loop3A_118 = arith.addf %parallel_loop3A_116, %parallel_loop3A_117 : vector<16xf32>
        %parallel_loop3A_119 = arith.constant 5.000000e-01 : f32
        %parallel_loop3A_120 = vector.broadcast %parallel_loop3A_119 : f32 to vector<16xf32>
        %parallel_loop3A_121 = arith.mulf %parallel_loop3A_118, %parallel_loop3A_120 : vector<16xf32>
        %parallel_loop3A_122 = arith.constant 16384 : i32
        %parallel_loop3A_123 = arith.addi %parallel_loop3A_122, %parallel_loop3A_107 : i32
        %parallel_loop3A_124 = arith.index_cast %parallel_loop3A_123 : i32 to index
        %parallel_loop3A_125 = tpu.vector_load %arg8[%parallel_loop3A_124] {strides = array<i32>} : memref<32768xf32, #tpu.memory_space<vmem>>, vector<16xf32>,
        tpu.vector_store %arg8[%parallel_loop3A_124], %parallel_loop3A_121 {strides = array<i32>} : memref<32768xf32, #tpu.memory_space<vmem>>, vector<16xf32>,
      } {sc.loop_unroll_factor = 8 : i64, sc.parallel_access}
      %add3A_63 = arith.constant 2 : i32
      %add3A_64 = arith.addi %add3A_48, %add3A_63 : i32
      %lt3A = arith.constant 32 : i32
      %lt3A_65 = arith.cmpi slt, %add3A_64, %lt3A : i32
      %convert_element_type3A_66 = arith.extui %lt3A_65 : i1 to i32
      %cond3A_67 = arith.constant 0 : i32
      %cond3A_68 = arith.cmpi ne, %convert_element_type3A_66, %cond3A_67 : i32
      scf.if %cond3A_68 {
        %add3A_105 = arith.constant 2 : i32
        %add3A_106 = arith.addi %add3A_51, %add3A_105 : i32
        %dma_start3A_107 = arith.constant 0 : i32
        %dma_start3A_108 = tpu.memref_slice %arg2[%add3A_106, %dma_start3A_107] : memref<1024x16384xf32, #tpu.memory_space<hbm>> -> memref<1x16384xf32, #tpu.memory_space<hbm>>
        %dma_start3A_109 = tpu.memref_squeeze %dma_start3A_108 : memref<1x16384xf32, #tpu.memory_space<hbm>> -> memref<16384xf32, #tpu.memory_space<hbm>>
        %dma_start3A_110 = arith.constant 0 : i32
        %dma_start3A_111 = tpu.memref_slice %arg2[%add3A_106, %dma_start3A_110] : memref<1024x16384xf32, #tpu.memory_space<hbm>> -> memref<1x16384xf32, #tpu.memory_space<hbm>>
        %dma_start3A_112 = tpu.memref_squeeze %dma_start3A_111 : memref<1x16384xf32, #tpu.memory_space<hbm>> -> memref<16384xf32, #tpu.memory_space<hbm>>
        tpu.enqueue_dma source(%dma_start3A_112 : memref<16384xf32, #tpu.memory_space<hbm>>) target(%arg6 : memref<16384xf32, #tpu.memory_space<vmem>>) target_semaphore(%arg10 : memref<!tpu.dma_semaphore, #tpu.memory_space<semaphore_mem>>)
      } else {
      }
      %dma_start3A_69 = arith.constant 0 : i32
      %dma_start3A_70 = tpu.memref_slice %arg4[%add3A_51, %dma_start3A_69] : memref<1024x32768xf32, #tpu.memory_space<hbm>> -> memref<1x32768xf32, #tpu.memory_space<hbm>>
      %dma_start3A_71 = tpu.memref_squeeze %dma_start3A_70 : memref<1x32768xf32, #tpu.memory_space<hbm>> -> memref<32768xf32, #tpu.memory_space<hbm>>
      %dma_start3A_72 = arith.constant 0 : i32
      %dma_start3A_73 = tpu.memref_slice %arg4[%add3A_51, %dma_start3A_72] : memref<1024x32768xf32, #tpu.memory_space<hbm>> -> memref<1x32768xf32, #tpu.memory_space<hbm>>
      %dma_start3A_74 = tpu.memref_squeeze %dma_start3A_73 : memref<1x32768xf32, #tpu.memory_space<hbm>> -> memref<32768xf32, #tpu.memory_space<hbm>>
      tpu.enqueue_dma source(%arg8 : memref<32768xf32, #tpu.memory_space<vmem>>) target(%dma_start3A_74 : memref<32768xf32, #tpu.memory_space<hbm>>) target_semaphore(%arg12 : memref<!tpu.dma_semaphore, #tpu.memory_space<semaphore_mem>>)
      %add3A_75 = arith.addi %mul3A_2, %add3A_48 : i32
      %add3A_76 = arith.constant 1 : i32
      %add3A_77 = arith.addi %add3A_75, %add3A_76 : i32
      %dma_wait3A_78 = arith.constant 0 : i32
      %dma_wait3A_79 = tpu.memref_slice %arg2[%add3A_77, %dma_wait3A_78] : memref<1024x16384xf32, #tpu.memory_space<hbm>> -> memref<1x16384xf32, #tpu.memory_space<hbm>>
      %dma_wait3A_80 = tpu.memref_squeeze %dma_wait3A_79 : memref<1x16384xf32, #tpu.memory_space<hbm>> -> memref<16384xf32, #tpu.memory_space<hbm>>
      %dma_wait3A_81 = arith.constant 0 : i32
      %dma_wait3A_82 = tpu.memref_slice %arg2[%add3A_77, %dma_wait3A_81] : memref<1024x16384xf32, #tpu.memory_space<hbm>> -> memref<1x16384xf32, #tpu.memory_space<hbm>>
      %dma_wait3A_83 = tpu.memref_squeeze %dma_wait3A_82 : memref<1x16384xf32, #tpu.memory_space<hbm>> -> memref<16384xf32, #tpu.memory_space<hbm>>
      tpu.wait_dma2 semaphore(%arg11 : memref<!tpu.dma_semaphore, #tpu.memory_space<semaphore_mem>>) src(%dma_wait3A_83 : memref<16384xf32, #tpu.memory_space<hbm>>) dst(%arg7 : memref<16384xf32, #tpu.memory_space<vmem>>)
      %ge3A_84 = arith.constant 2 : i32
      %ge3A_85 = arith.cmpi sge, %add3A_48, %ge3A_84 : i32
      %convert_element_type3A_86 = arith.extui %ge3A_85 : i1 to i32
      %cond3A_87 = arith.constant 0 : i32
      %cond3A_88 = arith.cmpi ne, %convert_element_type3A_86, %cond3A_87 : i32
      scf.if %cond3A_88 {
        %sub3A_105 = arith.constant 2 : i32
        %sub3A_106 = arith.subi %add3A_77, %sub3A_105 : i32
        %dma_wait3A_107 = arith.constant 0 : i32
        %dma_wait3A_108 = tpu.memref_slice %arg4[%sub3A_106, %dma_wait3A_107] : memref<1024x32768xf32, #tpu.memory_space<hbm>> -> memref<1x32768xf32, #tpu.memory_space<hbm>>
        %dma_wait3A_109 = tpu.memref_squeeze %dma_wait3A_108 : memref<1x32768xf32, #tpu.memory_space<hbm>> -> memref<32768xf32, #tpu.memory_space<hbm>>
        %dma_wait3A_110 = arith.constant 0 : i32
        %dma_wait3A_111 = tpu.memref_slice %arg4[%sub3A_106, %dma_wait3A_110] : memref<1024x32768xf32, #tpu.memory_space<hbm>> -> memref<1x32768xf32, #tpu.memory_space<hbm>>
        %dma_wait3A_112 = tpu.memref_squeeze %dma_wait3A_111 : memref<1x32768xf32, #tpu.memory_space<hbm>> -> memref<32768xf32, #tpu.memory_space<hbm>>
        tpu.wait_dma2 semaphore(%arg13 : memref<!tpu.dma_semaphore, #tpu.memory_space<semaphore_mem>>) src(%arg9 : memref<32768xf32, #tpu.memory_space<vmem>>) dst(%dma_wait3A_112 : memref<32768xf32, #tpu.memory_space<hbm>>)
      } else {
      }
      %parallel_loop3A_89 = arith.constant 0 : i32
      %parallel_loop3A_90 = arith.constant 1024 : i32
      %parallel_loop3A_91 = arith.constant 1 : i32
      scf.for %parallel_loop3A_105 = %parallel_loop3A_89 to %parallel_loop3A_90 step %parallel_loop3A_91  : i32 {
        %parallel_loop3A_106 = arith.constant 16 : i32
        %parallel_loop3A_107 = arith.muli %parallel_loop3A_105, %parallel_loop3A_106 : i32
        %parallel_loop3A_108 = arith.index_cast %parallel_loop3A_107 : i32 to index
        %parallel_loop3A_109 = tpu.vector_load %arg5[%parallel_loop3A_108] {strides = array<i32>} : memref<16384xi32, #tpu.memory_space<vmem>>, vector<16xi32>,
        %parallel_loop3A_110 = arith.constant 65535 : i32
        %parallel_loop3A_111 = vector.broadcast %parallel_loop3A_110 : i32 to vector<16xi32>
        %parallel_loop3A_112 = arith.andi %parallel_loop3A_109, %parallel_loop3A_111 : vector<16xi32>
        %parallel_loop3A_113 = arith.constant 16 : i32
        %parallel_loop3A_114 = vector.broadcast %parallel_loop3A_113 : i32 to vector<16xi32>
        %parallel_loop3A_115 = arith.shrui %parallel_loop3A_109, %parallel_loop3A_114 : vector<16xi32>
        %parallel_loop3A_116 = tpu.vector_load_idx %arg7[%parallel_loop3A_112] : memref<16384xf32, #tpu.memory_space<vmem>>[vector<16xi32>], vector<16xf32>,
        %parallel_loop3A_117 = tpu.vector_load_idx %arg7[%parallel_loop3A_115] : memref<16384xf32, #tpu.memory_space<vmem>>[vector<16xi32>], vector<16xf32>,
        %parallel_loop3A_118 = arith.addf %parallel_loop3A_116, %parallel_loop3A_117 : vector<16xf32>
        %parallel_loop3A_119 = arith.constant 5.000000e-01 : f32
        %parallel_loop3A_120 = vector.broadcast %parallel_loop3A_119 : f32 to vector<16xf32>
        %parallel_loop3A_121 = arith.mulf %parallel_loop3A_118, %parallel_loop3A_120 : vector<16xf32>
        %parallel_loop3A_122 = arith.constant 16384 : i32
        %parallel_loop3A_123 = arith.addi %parallel_loop3A_122, %parallel_loop3A_107 : i32
        %parallel_loop3A_124 = arith.index_cast %parallel_loop3A_123 : i32 to index
        %parallel_loop3A_125 = tpu.vector_load %arg9[%parallel_loop3A_124] {strides = array<i32>} : memref<32768xf32, #tpu.memory_space<vmem>>, vector<16xf32>,
        tpu.vector_store %arg9[%parallel_loop3A_124], %parallel_loop3A_121 {strides = array<i32>} : memref<32768xf32, #tpu.memory_space<vmem>>, vector<16xf32>,
      } {sc.loop_unroll_factor = 8 : i64, sc.parallel_access}
      %add3A_92 = arith.constant 2 : i32
      %add3A_93 = arith.addi %add3A_48, %add3A_92 : i32
      %lt3A_94 = arith.constant 32 : i32
      %lt3A_95 = arith.cmpi slt, %add3A_93, %lt3A_94 : i32
      %convert_element_type3A_96 = arith.extui %lt3A_95 : i1 to i32
      %cond3A_97 = arith.constant 0 : i32
      %cond3A_98 = arith.cmpi ne, %convert_element_type3A_96, %cond3A_97 : i32
      scf.if %cond3A_98 {
        %add3A_105 = arith.constant 2 : i32
        %add3A_106 = arith.addi %add3A_77, %add3A_105 : i32
        %dma_start3A_107 = arith.constant 0 : i32
        %dma_start3A_108 = tpu.memref_slice %arg2[%add3A_106, %dma_start3A_107] : memref<1024x16384xf32, #tpu.memory_space<hbm>> -> memref<1x16384xf32, #tpu.memory_space<hbm>>
        %dma_start3A_109 = tpu.memref_squeeze %dma_start3A_108 : memref<1x16384xf32, #tpu.memory_space<hbm>> -> memref<16384xf32, #tpu.memory_space<hbm>>
        %dma_start3A_110 = arith.constant 0 : i32
        %dma_start3A_111 = tpu.memref_slice %arg2[%add3A_106, %dma_start3A_110] : memref<1024x16384xf32, #tpu.memory_space<hbm>> -> memref<1x16384xf32, #tpu.memory_space<hbm>>
        %dma_start3A_112 = tpu.memref_squeeze %dma_start3A_111 : memref<1x16384xf32, #tpu.memory_space<hbm>> -> memref<16384xf32, #tpu.memory_space<hbm>>
        tpu.enqueue_dma source(%dma_start3A_112 : memref<16384xf32, #tpu.memory_space<hbm>>) target(%arg7 : memref<16384xf32, #tpu.memory_space<vmem>>) target_semaphore(%arg11 : memref<!tpu.dma_semaphore, #tpu.memory_space<semaphore_mem>>)
      } else {
      }
      %dma_start3A_99 = arith.constant 0 : i32
      %dma_start3A_100 = tpu.memref_slice %arg4[%add3A_77, %dma_start3A_99] : memref<1024x32768xf32, #tpu.memory_space<hbm>> -> memref<1x32768xf32, #tpu.memory_space<hbm>>
      %dma_start3A_101 = tpu.memref_squeeze %dma_start3A_100 : memref<1x32768xf32, #tpu.memory_space<hbm>> -> memref<32768xf32, #tpu.memory_space<hbm>>
      %dma_start3A_102 = arith.constant 0 : i32
      %dma_start3A_103 = tpu.memref_slice %arg4[%add3A_77, %dma_start3A_102] : memref<1024x32768xf32, #tpu.memory_space<hbm>> -> memref<1x32768xf32, #tpu.memory_space<hbm>>
      %dma_start3A_104 = tpu.memref_squeeze %dma_start3A_103 : memref<1x32768xf32, #tpu.memory_space<hbm>> -> memref<32768xf32, #tpu.memory_space<hbm>>
      tpu.enqueue_dma source(%arg9 : memref<32768xf32, #tpu.memory_space<vmem>>) target(%dma_start3A_104 : memref<32768xf32, #tpu.memory_space<hbm>>) target_semaphore(%arg13 : memref<!tpu.dma_semaphore, #tpu.memory_space<semaphore_mem>>)
    }
    %scan3A_21 = arith.constant 16 : i32
    %add3A_22 = arith.constant 32 : i32
    %add3A_23 = arith.addi %mul3A_2, %add3A_22 : i32
    %sub3A = arith.constant 2 : i32
    %sub3A_24 = arith.subi %add3A_23, %sub3A : i32
    %add3A_25 = arith.constant 0 : i32
    %add3A_26 = arith.addi %sub3A_24, %add3A_25 : i32
    %dma_wait3A = arith.constant 0 : i32
    %dma_wait3A_27 = tpu.memref_slice %arg4[%add3A_26, %dma_wait3A] : memref<1024x32768xf32, #tpu.memory_space<hbm>> -> memref<1x32768xf32, #tpu.memory_space<hbm>>
    %dma_wait3A_28 = tpu.memref_squeeze %dma_wait3A_27 : memref<1x32768xf32, #tpu.memory_space<hbm>> -> memref<32768xf32, #tpu.memory_space<hbm>>
    %dma_wait3A_29 = arith.constant 0 : i32
    %dma_wait3A_30 = tpu.memref_slice %arg4[%add3A_26, %dma_wait3A_29] : memref<1024x32768xf32, #tpu.memory_space<hbm>> -> memref<1x32768xf32, #tpu.memory_space<hbm>>
    %dma_wait3A_31 = tpu.memref_squeeze %dma_wait3A_30 : memref<1x32768xf32, #tpu.memory_space<hbm>> -> memref<32768xf32, #tpu.memory_space<hbm>>
    tpu.wait_dma2 semaphore(%arg12 : memref<!tpu.dma_semaphore, #tpu.memory_space<semaphore_mem>>) src(%arg8 : memref<32768xf32, #tpu.memory_space<vmem>>) dst(%dma_wait3A_31 : memref<32768xf32, #tpu.memory_space<hbm>>)
    %add3A_32 = arith.constant 32 : i32
    %add3A_33 = arith.addi %mul3A_2, %add3A_32 : i32
    %sub3A_34 = arith.constant 2 : i32
    %sub3A_35 = arith.subi %add3A_33, %sub3A_34 : i32
    %add3A_36 = arith.constant 1 : i32
    %add3A_37 = arith.addi %sub3A_35, %add3A_36 : i32
    %dma_wait3A_38 = arith.constant 0 : i32
    %dma_wait3A_39 = tpu.memref_slice %arg4[%add3A_37, %dma_wait3A_38] : memref<1024x32768xf32, #tpu.memory_space<hbm>> -> memref<1x32768xf32, #tpu.memory_space<hbm>>
    %dma_wait3A_40 = tpu.memref_squeeze %dma_wait3A_39 : memref<1x32768xf32, #tpu.memory_space<hbm>> -> memref<32768xf32, #tpu.memory_space<hbm>>
    %dma_wait3A_41 = arith.constant 0 : i32
    %dma_wait3A_42 = tpu.memref_slice %arg4[%add3A_37, %dma_wait3A_41] : memref<1024x32768xf32, #tpu.memory_space<hbm>> -> memref<1x32768xf32, #tpu.memory_space<hbm>>
    %dma_wait3A_43 = tpu.memref_squeeze %dma_wait3A_42 : memref<1x32768xf32, #tpu.memory_space<hbm>> -> memref<32768xf32, #tpu.memory_space<hbm>>
    tpu.wait_dma2 semaphore(%arg13 : memref<!tpu.dma_semaphore, #tpu.memory_space<semaphore_mem>>) src(%arg9 : memref<32768xf32, #tpu.memory_space<vmem>>) dst(%dma_wait3A_43 : memref<32768xf32, #tpu.memory_space<hbm>>)
    return
  }
}

</mosaic_0001>

<sc_bundles>
// kernel: _midpoints.3.cloned.1.call-start
scs
__scs_entry_jumppad:
0x0: {  	(pc) =	sbr.rel $0x88, $3  }
0x1: {  	(tag) =	ssettag $0x0;
	lr =	simm.s32 $0x1  }
0x2: {  	[smem:$0x3F9F] =	sst lr;
	_ =	strace $0xD0000000  }
0x3: {  	_ = 	snop  }
0x4: {  	_ = 	snop  }
0x5: {  	_ = 	snop  }
0x6: {  	_ = 	snop  }
0x7: {  	_ = 	snop  }
__scs_overlays_trampoline_lowered:
0x8: {  	[smem:$0x3FAE] =	sst s0  }
0x9: {  	[smem:$0x3FAF] =	sst s1  }
0xa: {  	[smem:$0x3FB0] =	sst s2  }
0xb: {  	[smem:$0x3FB1] =	sst s3  }
0xc: {  	[smem:$0x3FB2] =	sst s4  }
0xd: {  	[smem:$0x3FB3] =	sst s5  }
0xe: {  	[smem:$0x3FB4] =	sst s6  }
0xf: {  	[smem:$0x3FB5] =	sst s7  }
0x10: {  	[smem:$0x3FB6] =	sst s8  }
0x11: {  	[smem:$0x3FB7] =	sst s9;
	s0 =	simm.s32 @!p0 $0x0  }
0x12: {  	s1 =	sld [smem:$0x3F9D];
	s0 =	simm.s32 @p0 $0x1  }
0x13: {  	[smem:$0x3FB8] =	sst s0;
	s0 =	simm.s32 @!p1 $0x0  }
0x14: {  	s2 =	sld [smem:$0x3F9C];
	s0 =	simm.s32 @p1 $0x1  }
0x15: {  	[smem:$0x3FB9] =	sst s0;
	s0 =	simm.s32 @!p2 $0x0  }
0x16: {  	s3 =	sld [smem:$0x3FDB];
	s0 =	simm.s32 @p2 $0x1  }
0x17: {  	s4 =	simm.s32 $0x1BF5;
	[smem:$0x3FBB] =	sst s0  }
0x18: {  	s0 =	sld [smem:$0x3F9E];
	_ =	swait.ge [sflag:s4], $0x0  }
0x19: {  	s7 =	sld [smem:$0x3F9F]  }
0x1a: {  	s8 =	sadd.s32 $0xFFFFE003, lr  }
0x1b: {  	s9 =	sadd.s32 $0xFFFFFEF7, lr;
	s5 =	simm.s32 $0xFFFFFFFF;
	p2 =	slt.u32 s8, $0xFFFFF086  }
0x1c: {  	p1 =	slt.u32 s9, $0xF7A;
	s5 =	simm.s32 @!p2 $0x0  }
0x1d: {  	s5 =	simm.s32 @p1 $0x1;
	p0 =	seq.s32 s7, s2  }
0x1e: {  	s7 =	smul.u32 @!p0 $0xF7A, s2;
	p2 =	seq.s32 @!p0 s5, $0x0  }
0x1f: {  	s9 =	smul.u32 $0xF7A, s1;
	s8 =	simm.s32 @!p0 $0x1BF5;
	p2 =	por !p2, p0  }
0x20: {  	[sflag:s8] =	ssyncset.s32 @!p0 $0xFFFFF086;
	s6 =	sadd.s32 @!p0 s3, s7;
	s7 =	simm.s32 @!p0 $0x108  }
0x21: {  	s3 =	sadd.s32 s3, s9;
	s6 =	sadd.s32 @!p0 $0x88, s6;
	s7 =	simm.s32 @p2 $0x1082  }
0x22: {  	[simem:s7], [sflag:s8] =	dma.local @!p0 [hbm:s6], $0xF7A  }
0x23: {  	s9 =	sor.u32 $0xD0000000, s2;
	s6 =	simm.s32 $0x108;
	_ =	swait.ge @!p0 [sflag:s8], $0x0  }
0x24: {  	s3 =	sadd.s32 $0x88, s3;
	s6 =	simm.s32 @!p1 $0x1082;
	[sflag:s4] =	ssyncset.s32 $0xFFFFF086  }
0x25: {  	[simem:s6], [sflag:s4] =	dma.local [hbm:s3], $0xF7A  }
0x26: {  	[smem:$0x3F9F] =	sst s1;
	(tag) =	ssettag s2;
	_ =	strace s9  }
0x27: {  	s1 =	sld [smem:$0x3FAF]  }
0x28: {  	s2 =	sld [smem:$0x3FB0]  }
0x29: {  	s4 =	sld [smem:$0x3FB2]  }
0x2a: {  	p0 =	seq.s32 s5, $0x0;
	s5 =	sld [smem:$0x3FB3]  }
0x2b: {  	s6 =	sld [smem:$0x3FB4]  }
0x2c: {  	s7 =	sld [smem:$0x3FB5]  }
0x2d: {  	s3 =	simm.s32 $0x108;
	s8 =	sld [smem:$0x3FB6]  }
0x2e: {  	s3 =	simm.s32 @!p0 $0x1082;
	s9 =	sld [smem:$0x3FB7]  }
0x2f: {  	lr =	sadd.s32 s0, s3;
	s0 =	sld [smem:$0x3FAE]  }
0x30: {  	s3 =	sld [smem:$0x3FB1]  }
0x31: {  	[smem:$0x3FBA] =	sst s10  }
0x32: {  	s10 =	sld [smem:$0x3FB8];
	_ =	sdelay $0x3  }
0x33: {  	p0 =	seq.s32 s10, $0x1;
	s10 =	sld [smem:$0x3FBA];
	_ =	sdelay $0x3  }
0x34: {  	[smem:$0x3FBA] =	sst s10  }
0x35: {  	s10 =	sld [smem:$0x3FB9];
	_ =	sdelay $0x3  }
0x36: {  	p1 =	seq.s32 s10, $0x1;
	s10 =	sld [smem:$0x3FBA];
	_ =	sdelay $0x3  }
0x37: {  	[smem:$0x3FBA] =	sst s10  }
0x38: {  	s10 =	sld [smem:$0x3FBB]  }
0x39: {  	_ = 	snop;
	(pc) =	sbr.ind lr, $3  }
0x3a: {  	_ = 	snop  }
0x3b: {  	_ = 	snop  }
0x3c: {  	p2 =	seq.s32 s10, $0x1;
	s10 =	sld [smem:$0x3FBA]  }
0x3d: {  	_ =	shalt  }
0x3e: {  	_ =	shalt  }
0x3f: {  	_ =	shalt  }
0x40: {  	_ =	shalt  }
0x41: {  	_ =	shalt  }
0x42: {  	_ =	shalt  }
0x43: {  	_ =	shalt  }
0x44: {  	_ =	shalt  }
0x45: {  	_ =	shalt  }
0x46: {  	_ =	shalt  }
0x47: {  	_ =	shalt  }
0x48: {  	_ =	shalt  }
0x49: {  	_ =	shalt  }
0x4a: {  	_ =	shalt  }
0x4b: {  	_ =	shalt  }
0x4c: {  	_ =	shalt  }
0x4d: {  	_ =	shalt  }
0x4e: {  	_ =	shalt  }
0x4f: {  	_ =	shalt  }
0x50: {  	_ =	shalt  }
0x51: {  	_ =	shalt  }
0x52: {  	_ =	shalt  }
0x53: {  	_ =	shalt  }
0x54: {  	_ =	shalt  }
0x55: {  	_ =	shalt  }
0x56: {  	_ =	shalt  }
0x57: {  	_ =	shalt  }
0x58: {  	_ =	shalt  }
0x59: {  	_ =	shalt  }
0x5a: {  	_ =	shalt  }
0x5b: {  	_ =	shalt  }
0x5c: {  	_ =	shalt  }
0x5d: {  	_ =	shalt  }
0x5e: {  	_ =	shalt  }
0x5f: {  	_ =	shalt  }
0x60: {  	_ =	shalt  }
0x61: {  	_ =	shalt  }
0x62: {  	_ =	shalt  }
0x63: {  	_ =	shalt  }
0x64: {  	_ =	shalt  }
0x65: {  	_ =	shalt  }
0x66: {  	_ =	shalt  }
0x67: {  	_ =	shalt  }
0x68: {  	_ =	shalt  }
0x69: {  	_ =	shalt  }
0x6a: {  	_ =	shalt  }
0x6b: {  	_ =	shalt  }
0x6c: {  	_ =	shalt  }
0x6d: {  	_ =	shalt  }
0x6e: {  	_ =	shalt  }
0x6f: {  	_ =	shalt  }
0x70: {  	_ =	shalt  }
0x71: {  	_ =	shalt  }
0x72: {  	_ =	shalt  }
0x73: {  	_ =	shalt  }
0x74: {  	_ =	shalt  }
0x75: {  	_ =	shalt  }
0x76: {  	_ =	shalt  }
0x77: {  	_ =	shalt  }
0x78: {  	_ =	shalt  }
0x79: {  	_ =	shalt  }
0x7a: {  	_ =	shalt  }
0x7b: {  	_ =	shalt  }
0x7c: {  	_ =	shalt  }
0x7d: {  	_ =	shalt  }
0x7e: {  	_ =	shalt  }
0x7f: {  	_ =	shalt  }
0x80: {  	_ =	shalt  }
0x81: {  	_ =	shalt  }
0x82: {  	_ =	shalt  }
0x83: {  	_ =	shalt  }
0x84: {  	_ =	shalt  }
0x85: {  	_ =	shalt  }
0x86: {  	_ =	shalt  }
0x87: {  	_ =	shalt  }
.Lfunc_end0:
.L_simem_size_0:
called_computation_lowered:
.L_overlay_start_0:
0x88: {  	s2 =	sld [smem:$0x3FD9]  }
0x89: {  	s3 =	sld [smem:$0x3FFE];
	_ =	sdelay $0x1  }
0x8a: {  	s1 =	srdreg.scid  }
0x8b: {  	s0 =	sand.u32 $0x1, s1  }
0x8c: {  	s18 =	sshll.u32 s0, $0xA;
	s2 =	sadd.s32 s3, s2  }
0x8d: {  	s2 =	sadd.s32 s2, s18  }
0x8e: {  	[smem:$0x3FC6] =	sst s2  }
0x8f: {  	_ = 	snop  }
0x90: {  	s2 =	sld [smem:$0x3FC9]  }
0x91: {  	s19 =	sld [smem:$0x3FC8]  }
0x92: {  	s4 =	sld [smem:$0x3FD0];
	(tm) =	ssettm $0x1  }
0x93: {  	s5 =	sld [smem:$0x3FFB];
	_ =	sdelay $0x3  }
0x94: {  	_ =	strace s5  }
0x95: {  	s5 =	sld [smem:$0x3FFC];
	_ =	sdelay $0x3  }
0x96: {  	_ =	strace s5  }
0x97: {  	s5 =	sld [smem:$0x3FFD];
	_ =	sdelay $0x3  }
0x98: {  	_ =	strace s5  }
0x99: {  	_ =	strace $0x8FFFFFFF  }
0x9a: {  	s20 =	sld [smem:$0x3FDB];
	_ =	sdelay $0x1  }
0x9b: {  	s6 =	simm.s32 $_scs_section_size  }
0x9c: {  	s7 =	simm.s32 $_size__tile_overlayer_lowered;
	s8 =	simm.s32 $_tile_overlayer_lowered  }
0x9d: {  	s23 =	simm.s32 $0x1BFF;
	s22 =	sshll.u32 s8, $0x1;
	s5 =	sadd.s32 s6, s20  }
0x9e: {  	s9 =	simm.s32 $0x0;
	s21 =	sshll.u32 s7, $0x1;
	s7 =	sadd.s32 s22, s5  }
0x9f: {  	[timem:s9], [sflag:s23] =	dma.local [hbm:s7], s21  }
0xa0: {  	_ =	swait.ge [sflag:s23], s21  }
0xa1: {  	s6 =	ssub.s32 $0x0, s21;
	[sflag:s23] =	ssyncset.done $0x0  }
0xa2: {  	[sflag:s23] =	ssyncadd.s32 s6;
	_ =	sdelay $0x1  }
0xa3: {  	s24 =	simm.s32 $0x1B8B  }
0xa4: {  	_ =	swait.ge [sflag:s24], $0x1  }
0xa5: {  	[sflag:s24] =	ssyncset.done $0x0  }
0xa6: {  	s25 =	simm.s32 $0x1B8E;
	[sflag:s24] =	ssyncadd.s32 $0xFFFFFFFF  }
0xa7: {  	s26 =	simm.s32 $execute0_lowered;
	[smem:$0x3FD2] =	sst s25  }
0xa8: {  	s6 =	sshll.u32 s26, $0x1;
	_ =	strace $0x80000046;
	[dreg:$0x1] =	wrdreg $0xFFFFFFFF  }
0xa9: {  	s28 =	simm.s32 $_size_execute0_lowered;
	s5 =	sadd.s32 s5, s6;
	[dreg:$0x0] =	wrdreg $0x0  }
0xaa: {  	s6 =	sshll.u32 s28, $0x1;
	[dreg:$0x2] =	wrdreg s5  }
0xab: {  	[dreg:$0x3] =	wrdreg s6  }
0xac: {  	[dreg:$0x4] =	wrdreg $0xC0  }
0xad: {  	_ =	task [dreg:s9], $0x5FFFF  }
0xae: {  	[dreg:$0x1] =	wrdreg $0xFFFFFFFF  }
0xaf: {  	[dreg:$0x0] =	wrdreg $0x60  }
0xb0: {  	[dreg:$0x2] =	wrdreg s2  }
0xb1: {  	[dreg:$0x3] =	wrdreg s19  }
0xb2: {  	[dreg:$0x4] =	wrdreg s4  }
0xb3: {  	[dreg:$0x5] =	wrdreg $0x9  }
0xb4: {  	_ =	task.clear_ibuf [dreg:s9], $0x6FFFF;
	_ =	strace $0x90000046  }
0xb5: {  	s29 =	simm.s32 $0x9;
	_ =	strace $0x80000048  }
0xb6: {  	_ =	swait.ge [sflag:s29], $0x1  }
0xb7: {  	[sflag:s29] =	ssyncadd.s32 $0xFFFFFFFF  }
0xb8: {  	_ =	strace $0x90000048  }
0xb9: {  	_ =	sfence  }
0xba: {  	s30 =	sld [smem:$0x0];
	_ =	sdelay $0x2  }
0xbb: {  	s31 =	sshll.u32 s1, $0xD;
	s1 =	sshrl.u32 s1, $0x2  }
0xbc: {  	s3 =	sand.u32 $0x4000, s31;
	s1 =	sadd.s32 s1, s30  }
0xbd: {  	s0 =	sor.u32 s3, s0;
	s1 =	sshll.u32 s1, $0x11  }
0xbe: {  	s0 =	sor.u32 s1, s0  }
0xbf: {  	s0 =	sadd.s32 $0x8F2B, s0  }
0xc0: {  	[sflag:s0] =	ssyncadd.remote.s32 $0x1  }
0xc1: {  	_ =	sfence.sel $0xFFFF  }
0xc2: {  	[dreg:$0x0] =	wrdreg $0xFFFFFFFF;
	(pc) =	sbr.abs _section_cstart, $3  }
0xc3: {  	[dreg:$0x1] =	wrdreg $0xFFFFFFFF  }
0xc4: {  	_ =	task.clear_ibuf [dreg:s9], $0x2FFFF;
	_ =	strace $0x9FFFFFFF  }
0xc5: {  	(tm) =	ssettm $0x7FFFFFFF  }
tec
execute0_lowered:
.L_overlay_start_1:
0x0: {  	(tag) =	ssettag $0x1  }
0x1: {  	s1 =	rddreg [dreg:$0x0];
	s2 =	srdreg.scid  }
0x2: {  	s3 =	rddreg [dreg:$0x1];
	s0 =	stileid.u32  }
0x3: {  	s4 =	rddreg [dreg:$0x2];
	s10 =	simm.s32 $0x80;
	s11 =	simm.s32 $0x400  }
0x4: {  	s12 =	simm.s32 $0x4000;
	s13 =	simm.s32 $0x8000;
	s14 =	simm.s32 $0x3  }
0x5: {  	s15 =	simm.s32 $0x1;
	s16 =	simm.s32 $0xC000;
	s17 =	simm.s32 $0x2  }
0x6: {  	s18 =	simm.s32 $0x14000;
	s19 =	simm.s32 $0x4;
	s7 =	sand.u32 $0x1, s2  }
0x7: {  	s20 =	simm.s32 $0x0;
	s5 =	sshll.u32 s0, $0x6;
	s6 =	sshll.u32 s7, $0x5  }
0x8: {  	s2 =	rddreg [dreg:$0x3];
	s8 =	ssub.s32 $0x2, s7;
	s5 =	sor.u32 s6, s5  }
0x9: {  	s6 =	simm.s32 $0x0;
	s9 =	sshrl.u32 s8, $0x1;
	s31 =	sshll.u32 s5, $0xB  }
0xa: {  	[smem:$0x7FF] =	sst s6;
	s9 =	ssub.s32 s8, s9;
	s7 =	sadd.s32 s1, s31  }
0xb: {  	v0 =	vimm.f32 $0.0e+00;
	_ =	strace $0x80000047;
	s9 =	smax.u32 s9, $0x1;
	s8 =	sadd.s32 $0x10, s7  }
.LBB2_1:
0xc: {  	[tilespmem:s12], [sflag:$0x1] =	stream.strided.gather [hbm4b:s7+s10], $0x4000, s11, s10, $0x38;
	[tilespmem:$0x1C000] =	vst v63  }
0xd: {  	_ = 	snop  }
0xe: {  	[tilespmem:s13], [sflag:$0x2] =	stream.strided.gather [hbm4b:s8+s10], $0x4000, s11, s10, $0x38;
	[tilespmem:$0x1C000] =	vst v63  }
0xf: {  	s21 =	simm.s32 $0xC040  }
0x10: {  	[tilespmem:s6], [sflag:$0x3] =	stream.linear.gather [hbm4b:s3+s6], $0x4000, $0x38;
	[tilespmem:$0x1C000] =	vst v63  }
0x11: {  	[tilespmem:s21+$0x30] =	vst v0  }
0x12: {  	[tilespmem:s21+$0xFFFFFFF0] =	vst v0  }
0x13: {  	[tilespmem:s21+$0xFFFFFFC0] =	vst v0  }
0x14: {  	[tilespmem:s21+$0xFFFFFFE0] =	vst v0  }
0x15: {  	[tilespmem:s21+$0x10] =	vst v0  }
0x16: {  	[tilespmem:s21+$0x20] =	vst v0  }
0x17: {  	[tilespmem:s21+$0x0] =	vst v0  }
0x18: {  	s22 =	simm.s32 $0x14040;
	[tilespmem:s21+$0xFFFFFFD0] =	vst v0  }
0x19: {  	[tilespmem:s22+$0xFFFFFFC0] =	vst v0  }
0x1a: {  	[tilespmem:s22+$0x30] =	vst v0  }
0x1b: {  	[tilespmem:s22+$0x20] =	vst v0  }
0x1c: {  	[tilespmem:s22+$0x10] =	vst v0  }
0x1d: {  	[tilespmem:s22+$0xFFFFFFE0] =	vst v0  }
0x1e: {  	[tilespmem:s22+$0x0] =	vst v0  }
0x1f: {  	s23 =	simm.s32 $0x0;
	[tilespmem:s22+$0xFFFFFFF0] =	vst v0  }
.LBB2_2:
0x20: {  	s23 =	sadd.s32 $0x8, s23;
	[tilespmem:s22+$0xFFFFFFD0] =	vst v0;
	s21 =	sadd.s32 $0x80, s21;
	s22 =	sadd.s32 $0x80, s22  }
0x21: {  	[tilespmem:s21+$0x30] =	vst v0;
	p0 =	slt.u32 s23, $0x3F8  }
0x22: {  	[tilespmem:s21+$0xFFFFFFF0] =	vst v0  }
0x23: {  	[tilespmem:s21+$0xFFFFFFC0] =	vst v0  }
0x24: {  	[tilespmem:s22+$0xFFFFFFC0] =	vst v0  }
0x25: {  	[tilespmem:s22+$0x30] =	vst v0  }
0x26: {  	[tilespmem:s21+$0xFFFFFFE0] =	vst v0  }
0x27: {  	[tilespmem:s21+$0x10] =	vst v0  }
0x28: {  	[tilespmem:s21+$0x20] =	vst v0  }
0x29: {  	[tilespmem:s22+$0x20] =	vst v0  }
0x2a: {  	[tilespmem:s22+$0x10] =	vst v0  }
.Ltmp0:
0x2b: {  	[tilespmem:s22+$0xFFFFFFE0] =	vst v0;
	(pc) =	sbr.rel @p0 .LBB2_2-.Ltmp0, $4  }
0x2c: {  	[tilespmem:s21+$0x0] =	vst v0  }
0x2d: {  	[tilespmem:s22+$0x0] =	vst v0  }
0x2e: {  	[tilespmem:s22+$0xFFFFFFF0] =	vst v0  }
0x2f: {  	[tilespmem:s21+$0xFFFFFFD0] =	vst v0  }
0x30: {  	[tilespmem:s22+$0xFFFFFFD0] =	vst v0  }
0x31: {  	_ =	swait.ge [sflag:s14], $0x4000  }
0x32: {  	[sflag:s14] =	ssyncset.done $0x0  }
0x33: {  	s21 =	simm.s32 $0x0;
	[sflag:s14] =	ssyncadd.s32 $0xFFFFC000  }
.LBB2_4:
0x34: {  	_ =	swait.ge [sflag:s15], $0x4000  }
0x35: {  	p1 =	seq.s32 s21, $0x0;
	[sflag:s15] =	ssyncset.done $0x0  }
0x36: {  	s22 =	simm.s32 @!p1 $0x3;
	[sflag:s15] =	ssyncadd.s32 $0xFFFFC000  }
0x37: {  	_ =	swait.ge @!p1 [sflag:s22], $0x8000  }
0x38: {  	[sflag:s22] =	ssyncset.done @!p1 $0x0  }
0x39: {  	s24 =	simm.s32 $0x0;
	[sflag:s22] =	ssyncadd.s32 @!p1 $0xFFFF8000  }
0x3a: {  	v1 =	vld [tilespmem:s24+$0x70];
	_ =	sdelay $0x1  }
0x3b: {  	v2 =	vld [tilespmem:s24+$0x0];
	_ =	sdelay $0x1  }
0x3c: {  	v3 =	vld [tilespmem:s24+$0x10]  }
0x3d: {  	v4 =	vld [tilespmem:s24+$0x20];
	v5 =	vand.u32 $0xFFFF, v1  }
0x3e: {  	v6 =	vld [tilespmem:s24+$0x30];
	v1 =	vshrl.u32 v1, $0x10  }
0x3f: {  	v7 =	vld [tilespmem:s24+$0x40];
	v8 =	vand.u32 $0xFFFF, v2  }
0x40: {  	v9 =	vld [tilespmem:s24+$0x50];
	v2 =	vshrl.u32 v2, $0x10  }
0x41: {  	v11 =	vld [tilespmem:s24+$0x60];
	v10 =	vand.u32 $0xFFFF, v3  }
0x42: {  	v3 =	vshrl.u32 v3, $0x10;
	v12 =	vld.idx.msk [tilespmem:v5+s12+$0x0], $0xffff  }
0x43: {  	v14 =	vand.u32 $0xFFFF, v6;
	v1 =	vld.idx.msk [tilespmem:v1+s12+$0x0], $0xffff  }
0x44: {  	v5 =	vand.u32 $0xFFFF, v4;
	v13 =	vld.idx.msk [tilespmem:v8+s12+$0x0], $0xffff  }
0x45: {  	v4 =	vshrl.u32 v4, $0x10;
	v2 =	vld.idx.msk [tilespmem:v2+s12+$0x0], $0xffff  }
0x46: {  	v6 =	vshrl.u32 v6, $0x10;
	v15 =	vld.idx.msk [tilespmem:v10+s12+$0x0], $0xffff  }
0x47: {  	v10 =	vand.u32 $0xFFFF, v7;
	v16 =	vld.idx.msk [tilespmem:v3+s12+$0x0], $0xffff  }
0x48: {  	v17 =	vshrl.u32 v7, $0x10;
	v3 =	vld.idx.msk [tilespmem:v14+s12+$0x0], $0xffff  }
0x49: {  	v18 =	vand.u32 $0xFFFF, v9;
	v5 =	vld.idx.msk [tilespmem:v5+s12+$0x0], $0xffff  }
0x4a: {  	v8 =	vld.idx.msk [tilespmem:v4+s12+$0x0], $0xffff;
	v1 =	vadd.f32 v1, v12;
	v4 =	vshrl.u32 v9, $0x10  }
0x4b: {  	v7 =	vld.idx.msk [tilespmem:v6+s12+$0x0], $0xffff;
	v12 =	vadd.f32 v2, v13  }
0x4c: {  	v6 =	vld.idx.msk [tilespmem:v10+s12+$0x0], $0xffff;
	v2 =	vand.u32 $0xFFFF, v11;
	v13 =	vmul.f32 $5.000000000e-01, v1  }
0x4d: {  	s31 =	sshll.u32 s21, $0x1;
	s23 =	sshll.u32 s21, $0x5;
	s25 =	simm.s32 $0x0;
	v10 =	vld.idx.msk [tilespmem:v17+s12+$0x0], $0xffff;
	v1 =	vshrl.u32 v11, $0x10;
	v11 =	vmul.f32 $5.000000000e-01, v12;
	v12 =	vadd.f32 v16, v15  }
0x4e: {  	s26 =	simm.s32 $0x200;
	s23 =	sand.u32 $0x60, s23;
	s22 =	sadd.s32 s5, s31;
	v9 =	vld.idx.msk [tilespmem:v18+s12+$0x0], $0xffff;
	[tilespmem:s24+$0x10070] =	vst v13  }
.LBB2_5:
0x4f: {  	s28 =	sshra.s32 s26, $0x2;
	[tilespmem:s24+$0x10000] =	vst v11;
	v11 =	vmul.f32 $5.000000000e-01, v12;
	v5 =	vadd.f32 v8, v5;
	v4 =	vld.idx.msk [tilespmem:v4+s12+$0x0], $0xffff  }
0x50: {  	s25 =	sadd.s32 $0x8, s25;
	v8 =	vld [tilespmem:s28+$0x70]  }
0x51: {  	p0 =	slt.u32 s25, $0x3F8;
	v3 =	vadd.f32 v7, v3;
	v12 =	vld [tilespmem:s28+$0x0];
	[tilespmem:s24+$0x10010] =	vst v11;
	v5 =	vmul.f32 $5.000000000e-01, v5  }
0x52: {  	v7 =	vld [tilespmem:s28+$0x10]  }
0x53: {  	v3 =	vmul.f32 $5.000000000e-01, v3;
	v11 =	vld [tilespmem:s28+$0x20];
	[tilespmem:s24+$0x10020] =	vst v5;
	v5 =	vadd.f32 v10, v6  }
0x54: {  	v6 =	vld [tilespmem:s28+$0x30]  }
0x55: {  	v4 =	vadd.f32 v4, v9;
	v10 =	vld [tilespmem:s28+$0x40];
	v13 =	vand.u32 $0xFFFF, v8;
	[tilespmem:s24+$0x10030] =	vst v3;
	v3 =	vmul.f32 $5.000000000e-01, v5  }
0x56: {  	v8 =	vshrl.u32 v8, $0x10;
	v5 =	vshrl.u32 v12, $0x10;
	v9 =	vand.u32 $0xFFFF, v12;
	v12 =	vld [tilespmem:s28+$0x50]  }
0x57: {  	v14 =	vshrl.u32 v7, $0x10;
	v7 =	vand.u32 $0xFFFF, v7;
	v15 =	vld [tilespmem:s28+$0x60];
	[tilespmem:s24+$0x10040] =	vst v3;
	v3 =	vmul.f32 $5.000000000e-01, v4  }
0x58: {  	v16 =	vshrl.u32 v11, $0x10;
	v11 =	vand.u32 $0xFFFF, v11;
	v17 =	vld.idx.msk [tilespmem:v2+s12+$0x0], $0xffff  }
0x59: {  	v18 =	vshrl.u32 v6, $0x10;
	v6 =	vand.u32 $0xFFFF, v6;
	[tilespmem:s24+$0x10050] =	vst v3;
	v3 =	vld.idx.msk [tilespmem:v1+s12+$0x0], $0xffff  }
0x5a: {  	v19 =	vshrl.u32 v10, $0x10;
	v10 =	vand.u32 $0xFFFF, v10;
	v13 =	vld.idx.msk [tilespmem:v13+s12+$0x0], $0xffff  }
0x5b: {  	v4 =	vshrl.u32 v12, $0x10;
	v20 =	vand.u32 $0xFFFF, v12;
	v12 =	vld.idx.msk [tilespmem:v8+s12+$0x0], $0xffff  }
0x5c: {  	v9 =	vld.idx.msk [tilespmem:v9+s12+$0x0], $0xffff;
	v1 =	vshrl.u32 v15, $0x10;
	v2 =	vand.u32 $0xFFFF, v15  }
0x5d: {  	v15 =	vld.idx.msk [tilespmem:v5+s12+$0x0], $0xffff  }
0x5e: {  	v21 =	vld.idx.msk [tilespmem:v7+s12+$0x0], $0xffff  }
0x5f: {  	v3 =	vadd.f32 v3, v17;
	v14 =	vld.idx.msk [tilespmem:v14+s12+$0x0], $0xffff  }
0x60: {  	v5 =	vld.idx.msk [tilespmem:v11+s12+$0x0], $0xffff  }
0x61: {  	v11 =	vadd.f32 v12, v13;
	v12 =	vmul.f32 $5.000000000e-01, v3;
	v8 =	vld.idx.msk [tilespmem:v16+s12+$0x0], $0xffff  }
.Ltmp1:
0x62: {  	v3 =	vld.idx.msk [tilespmem:v6+s12+$0x0], $0xffff;
	(pc) =	sbr.rel @p0 .LBB2_5-.Ltmp1, $4  }
0x63: {  	v9 =	vadd.f32 v15, v9;
	v13 =	vmul.f32 $5.000000000e-01, v11;
	v7 =	vld.idx.msk [tilespmem:v18+s12+$0x0], $0xffff;
	[tilespmem:s24+$0x10060] =	vst v12;
	s24 =	smov.u32 s28  }
0x64: {  	v6 =	vld.idx.msk [tilespmem:v10+s12+$0x0], $0xffff  }
0x65: {  	v11 =	vmul.f32 $5.000000000e-01, v9;
	v12 =	vadd.f32 v14, v21;
	v10 =	vld.idx.msk [tilespmem:v19+s12+$0x0], $0xffff;
	[tilespmem:s24+$0x10070] =	vst v13  }
0x66: {  	s26 =	sadd.s32 $0x200, s26;
	v9 =	vld.idx.msk [tilespmem:v20+s12+$0x0], $0xffff  }
0x67: {  	_ =	sdelay $0x3  }
0x68: {  	v4 =	vld.idx.msk [tilespmem:v4+s12+$0x0], $0xffff  }
0x69: {  	v2 =	vld.idx.msk [tilespmem:v2+s12+$0x0], $0xffff  }
0x6a: {  	v1 =	vld.idx.msk [tilespmem:v1+s12+$0x0], $0xffff  }
0x6b: {  	v5 =	vadd.f32 v8, v5  }
0x6c: {  	v8 =	vmul.f32 $5.000000000e-01, v12;
	v3 =	vadd.f32 v7, v3  }
0x6d: {  	[tilespmem:s24+$0x10000] =	vst v11;
	v5 =	vmul.f32 $5.000000000e-01, v5;
	v6 =	vadd.f32 v10, v6  }
0x6e: {  	p0 =	seq.s32 s21, $0xF;
	[tilespmem:s24+$0x10010] =	vst v8;
	v3 =	vmul.f32 $5.000000000e-01, v3;
	v4 =	vadd.f32 v4, v9  }
0x6f: {  	s25 =	sadd.s32 @!p0 $0x2, s22;
	[tilespmem:s24+$0x10020] =	vst v5;
	v5 =	vmul.f32 $5.000000000e-01, v6;
	v1 =	vadd.f32 v1, v2  }
0x70: {  	s26 =	sshll.u32 @!p0 s25, $0x4;
	[tilespmem:s24+$0x10030] =	vst v3;
	v2 =	vmul.f32 $5.000000000e-01, v4  }
0x71: {  	s30 =	sshll.u32 s22, $0xC;
	s25 =	sshll.u32 @!p0 s25, $0xB;
	s26 =	sand.u32 @!p0 $0x60, s26;
	[tilespmem:s24+$0x10040] =	vst v5;
	v1 =	vmul.f32 $5.000000000e-01, v1  }
0x72: {  	s28 =	simm.s32 @!p0 $0x4000;
	s25 =	sand.u32 @!p0 $0xFFFC000, s25;
	s26 =	sadd.s32 @!p0 s1, s26;
	[tilespmem:s24+$0x10050] =	vst v2  }
0x73: {  	s25 =	sadd.s32 @!p0 s25, s26;
	s26 =	simm.s32 @!p0 $0x400;
	[tilespmem:s24+$0x10060] =	vst v1;
	s24 =	simm.s32 @!p0 $0x80  }
0x74: {  	[tilespmem:s28], [sflag:$0x1] =	stream.strided.gather @!p0 [hbm4b:s25+s24], $0x4000, s26, s24, $0x38;
	[tilespmem:$0x1C000] =	vst v63  }
0x75: {  	s31 =	sadd.s32 s4, s23;
	s24 =	sand.u32 $0x3F8000, s30  }
0x76: {  	s25 =	sadd.s32 s24, s31  }
0x77: {  	[hbm4b:s25+s10] =	stream.strided.scatter [tilespmem:s16], [sflag:$0x3], $0x8000, s11, s10, $0x38;
	[tilespmem:$0x1C000] =	vst v63  }
0x78: {  	_ =	swait.ge [sflag:s17], $0x4000  }
0x79: {  	[sflag:s17] =	ssyncset.done $0x0  }
0x7a: {  	s25 =	simm.s32 @!p1 $0x4;
	[sflag:s17] =	ssyncadd.s32 $0xFFFFC000  }
0x7b: {  	_ =	swait.ge @!p1 [sflag:s25], $0x8000  }
0x7c: {  	[sflag:s25] =	ssyncset.done @!p1 $0x0  }
0x7d: {  	[sflag:s25] =	ssyncadd.s32 @!p1 $0xFFFF8000;
	s25 =	simm.s32 $0x0  }
0x7e: {  	v1 =	vld [tilespmem:s25+$0x70];
	_ =	sdelay $0x1  }
0x7f: {  	v2 =	vld [tilespmem:s25+$0x0];
	_ =	sdelay $0x1  }
0x80: {  	v3 =	vld [tilespmem:s25+$0x10]  }
0x81: {  	v4 =	vld [tilespmem:s25+$0x20];
	v5 =	vand.u32 $0xFFFF, v1  }
0x82: {  	v6 =	vld [tilespmem:s25+$0x30];
	v1 =	vshrl.u32 v1, $0x10  }
0x83: {  	v7 =	vld [tilespmem:s25+$0x40];
	v8 =	vand.u32 $0xFFFF, v2  }
0x84: {  	v9 =	vld [tilespmem:s25+$0x50];
	v2 =	vshrl.u32 v2, $0x10  }
0x85: {  	v11 =	vld [tilespmem:s25+$0x60];
	v10 =	vand.u32 $0xFFFF, v3  }
0x86: {  	v3 =	vshrl.u32 v3, $0x10;
	v12 =	vld.idx.msk [tilespmem:v5+s13+$0x0], $0xffff  }
0x87: {  	v14 =	vand.u32 $0xFFFF, v6;
	v6 =	vshrl.u32 v6, $0x10;
	v1 =	vld.idx.msk [tilespmem:v1+s13+$0x0], $0xffff  }
0x88: {  	v5 =	vand.u32 $0xFFFF, v4;
	v13 =	vld.idx.msk [tilespmem:v8+s13+$0x0], $0xffff  }
0x89: {  	v4 =	vshrl.u32 v4, $0x10;
	v2 =	vld.idx.msk [tilespmem:v2+s13+$0x0], $0xffff  }
0x8a: {  	v18 =	vand.u32 $0xFFFF, v9;
	v15 =	vld.idx.msk [tilespmem:v10+s13+$0x0], $0xffff  }
0x8b: {  	v16 =	vld.idx.msk [tilespmem:v3+s13+$0x0], $0xffff  }
0x8c: {  	v17 =	vshrl.u32 v7, $0x10;
	v10 =	vand.u32 $0xFFFF, v7;
	v7 =	vld.idx.msk [tilespmem:v6+s13+$0x0], $0xffff  }
0x8d: {  	v5 =	vld.idx.msk [tilespmem:v5+s13+$0x0], $0xffff  }
0x8e: {  	v3 =	vshrl.u32 v9, $0x10;
	v8 =	vld.idx.msk [tilespmem:v4+s13+$0x0], $0xffff;
	v1 =	vadd.f32 v1, v12  }
0x8f: {  	v9 =	vld.idx.msk [tilespmem:v18+s13+$0x0], $0xffff;
	v12 =	vadd.f32 v2, v13  }
0x90: {  	v4 =	vld.idx.msk [tilespmem:v14+s13+$0x0], $0xffff;
	v2 =	vand.u32 $0xFFFF, v11;
	v13 =	vmul.f32 $5.000000000e-01, v1  }
0x91: {  	v6 =	vld.idx.msk [tilespmem:v10+s13+$0x0], $0xffff;
	v1 =	vshrl.u32 v11, $0x10;
	v11 =	vmul.f32 $5.000000000e-01, v12;
	v12 =	vadd.f32 v16, v15  }
0x92: {  	s23 =	sor.u32 $0x10, s23;
	s26 =	simm.s32 $0x0;
	s28 =	simm.s32 $0x200;
	v10 =	vld.idx.msk [tilespmem:v17+s13+$0x0], $0xffff;
	[tilespmem:s25+$0x18070] =	vst v13  }
.LBB2_7:
0x93: {  	s29 =	sshra.s32 s28, $0x2;
	[tilespmem:s25+$0x18000] =	vst v11;
	v11 =	vmul.f32 $5.000000000e-01, v12;
	v5 =	vadd.f32 v8, v5;
	v3 =	vld.idx.msk [tilespmem:v3+s13+$0x0], $0xffff  }
0x94: {  	s26 =	sadd.s32 $0x8, s26;
	v8 =	vld [tilespmem:s29+$0x70]  }
0x95: {  	p1 =	slt.u32 s26, $0x3F8;
	v4 =	vadd.f32 v7, v4;
	v12 =	vld [tilespmem:s29+$0x0];
	[tilespmem:s25+$0x18010] =	vst v11;
	v5 =	vmul.f32 $5.000000000e-01, v5  }
0x96: {  	v7 =	vld [tilespmem:s29+$0x10]  }
0x97: {  	v4 =	vmul.f32 $5.000000000e-01, v4;
	v11 =	vld [tilespmem:s29+$0x20];
	[tilespmem:s25+$0x18020] =	vst v5;
	v5 =	vadd.f32 v10, v6  }
0x98: {  	v6 =	vld [tilespmem:s29+$0x30]  }
0x99: {  	v3 =	vadd.f32 v3, v9;
	v10 =	vld [tilespmem:s29+$0x40];
	v13 =	vand.u32 $0xFFFF, v8;
	[tilespmem:s25+$0x18030] =	vst v4;
	v4 =	vmul.f32 $5.000000000e-01, v5  }
0x9a: {  	v8 =	vshrl.u32 v8, $0x10;
	v5 =	vshrl.u32 v12, $0x10;
	v9 =	vand.u32 $0xFFFF, v12;
	v12 =	vld [tilespmem:s29+$0x50]  }
0x9b: {  	v3 =	vmul.f32 $5.000000000e-01, v3;
	v14 =	vshrl.u32 v7, $0x10;
	v7 =	vand.u32 $0xFFFF, v7;
	v15 =	vld [tilespmem:s29+$0x60];
	[tilespmem:s25+$0x18040] =	vst v4  }
0x9c: {  	v4 =	vshrl.u32 v11, $0x10;
	v11 =	vand.u32 $0xFFFF, v11;
	v16 =	vld.idx.msk [tilespmem:v2+s13+$0x0], $0xffff  }
0x9d: {  	v17 =	vshrl.u32 v6, $0x10;
	v6 =	vand.u32 $0xFFFF, v6;
	[tilespmem:s25+$0x18050] =	vst v3;
	v18 =	vld.idx.msk [tilespmem:v1+s13+$0x0], $0xffff  }
0x9e: {  	v19 =	vshrl.u32 v10, $0x10;
	v10 =	vand.u32 $0xFFFF, v10;
	v13 =	vld.idx.msk [tilespmem:v13+s13+$0x0], $0xffff  }
0x9f: {  	v3 =	vshrl.u32 v12, $0x10;
	v20 =	vand.u32 $0xFFFF, v12;
	v12 =	vld.idx.msk [tilespmem:v8+s13+$0x0], $0xffff  }
0xa0: {  	v9 =	vld.idx.msk [tilespmem:v9+s13+$0x0], $0xffff;
	v1 =	vshrl.u32 v15, $0x10;
	v2 =	vand.u32 $0xFFFF, v15  }
0xa1: {  	v15 =	vld.idx.msk [tilespmem:v5+s13+$0x0], $0xffff  }
0xa2: {  	v21 =	vld.idx.msk [tilespmem:v7+s13+$0x0], $0xffff  }
0xa3: {  	v7 =	vadd.f32 v18, v16;
	v14 =	vld.idx.msk [tilespmem:v14+s13+$0x0], $0xffff  }
0xa4: {  	v5 =	vld.idx.msk [tilespmem:v11+s13+$0x0], $0xffff  }
0xa5: {  	v11 =	vadd.f32 v12, v13;
	v12 =	vmul.f32 $5.000000000e-01, v7;
	v8 =	vld.idx.msk [tilespmem:v4+s13+$0x0], $0xffff  }
.Ltmp2:
0xa6: {  	v4 =	vld.idx.msk [tilespmem:v6+s13+$0x0], $0xffff;
	(pc) =	sbr.rel @p1 .LBB2_7-.Ltmp2, $4  }
0xa7: {  	v9 =	vadd.f32 v15, v9;
	v13 =	vmul.f32 $5.000000000e-01, v11;
	v7 =	vld.idx.msk [tilespmem:v17+s13+$0x0], $0xffff;
	[tilespmem:s25+$0x18060] =	vst v12;
	s25 =	smov.u32 s29  }
0xa8: {  	v6 =	vld.idx.msk [tilespmem:v10+s13+$0x0], $0xffff  }
0xa9: {  	v11 =	vmul.f32 $5.000000000e-01, v9;
	v12 =	vadd.f32 v14, v21;
	v10 =	vld.idx.msk [tilespmem:v19+s13+$0x0], $0xffff;
	[tilespmem:s25+$0x18070] =	vst v13  }
0xaa: {  	s28 =	sadd.s32 $0x200, s28;
	v9 =	vld.idx.msk [tilespmem:v20+s13+$0x0], $0xffff  }
0xab: {  	_ =	sdelay $0x3  }
0xac: {  	v3 =	vld.idx.msk [tilespmem:v3+s13+$0x0], $0xffff  }
0xad: {  	v2 =	vld.idx.msk [tilespmem:v2+s13+$0x0], $0xffff  }
0xae: {  	v1 =	vld.idx.msk [tilespmem:v1+s13+$0x0], $0xffff  }
0xaf: {  	v5 =	vadd.f32 v8, v5  }
0xb0: {  	v62 =	vmul.f32 $5.000000000e-01, v12;
	v4 =	vadd.f32 v7, v4  }
0xb1: {  	[tilespmem:s25+$0x18000] =	vst v11;
	v5 =	vmul.f32 $5.000000000e-01, v5;
	v6 =	vadd.f32 v10, v6  }
0xb2: {  	[tilespmem:s25+$0x18010] =	vst v62;
	v4 =	vmul.f32 $5.000000000e-01, v4;
	v3 =	vadd.f32 v3, v9  }
0xb3: {  	s22 =	sadd.s32 @!p0 $0x3, s22;
	[tilespmem:s25+$0x18020] =	vst v5;
	v63 =	vmul.f32 $5.000000000e-01, v6;
	v1 =	vadd.f32 v1, v2  }
0xb4: {  	s26 =	sshll.u32 @!p0 s22, $0x4;
	[tilespmem:s25+$0x18030] =	vst v4;
	v2 =	vmul.f32 $5.000000000e-01, v3  }
0xb5: {  	s28 =	simm.s32 @!p0 $0x8000;
	s22 =	sshll.u32 @!p0 s22, $0xB;
	s26 =	sand.u32 @!p0 $0x70, s26;
	[tilespmem:s25+$0x18040] =	vst v63;
	v1 =	vmul.f32 $5.000000000e-01, v1  }
0xb6: {  	s21 =	sadd.s32 $0x1, s21;
	s22 =	sand.u32 @!p0 $0xFFFC000, s22;
	s26 =	sadd.s32 @!p0 s1, s26;
	[tilespmem:s25+$0x18050] =	vst v2  }
0xb7: {  	s22 =	sadd.s32 @!p0 s22, s26;
	s26 =	simm.s32 @!p0 $0x400;
	[tilespmem:s25+$0x18060] =	vst v1;
	s25 =	simm.s32 @!p0 $0x80  }
0xb8: {  	[tilespmem:s28], [sflag:$0x2] =	stream.strided.gather @!p0 [hbm4b:s22+s25], $0x4000, s26, s25, $0x38;
	[tilespmem:$0x1C000] =	vst v63  }
0xb9: {  	p0 =	sne.s32 s21, $0x10  }
.Ltmp3:
0xba: {  	_ = 	snop;
	(pc) =	sbr.rel @p0 .LBB2_4-.Ltmp3, $4  }
0xbb: {  	_ = 	snop  }
0xbc: {  	s31 =	sadd.s32 s4, s23  }
0xbd: {  	s22 =	sadd.s32 s24, s31  }
0xbe: {  	[hbm4b:s22+s10] =	stream.strided.scatter [tilespmem:s18], [sflag:$0x4], $0x8000, s11, s10, $0x38;
	[tilespmem:$0x1C000] =	vst v63  }
0xbf: {  	s20 =	sadd.s32 $0x1, s20  }
0xc0: {  	_ =	swait.ge [sflag:s14], $0x8000;
	p0 =	sne.s32 s20, s9  }
.Ltmp4:
0xc1: {  	[sflag:s14] =	ssyncset.done $0x0;
	(pc) =	sbr.rel @p0 .LBB2_1-.Ltmp4, $4  }
0xc2: {  	[sflag:s14] =	ssyncadd.s32 $0xFFFF8000  }
0xc3: {  	_ =	swait.ge [sflag:s19], $0x8000  }
0xc4: {  	[sflag:s19] =	ssyncset.done $0x0  }
0xc5: {  	[sflag:s19] =	ssyncadd.s32 $0xFFFF8000  }
0xc6: {  	_ =	sfence.sel $0x180000  }
0xc7: {  	[bflag:$0x0] =	sbarrier.arrive $0xFFFF  }
0xc8: {  	p0 =	sne.s32 s0, $0x0;
	_ =	strace $0x90000047  }
0xc9: {  	s0 =	sadd.s32 @!p0 $0x100000, s2;
	[bflag:$0x2] =	sbarrier.arrive $0xFFFF  }
0xca: {  	[sflag:s0] =	ssyncadd.tile.s32 @!p0 $0x1;
	_ =	shalt  }
.Lfunc_end2:
_tile_overlayer_lowered:
.L_overlay_start_2:
0xcb: {  	(tag) =	ssettag $0x2  }
0xcc: {  	s0 =	rddreg [dreg:$0x0];
	s2 =	stileid.u32  }
0xcd: {  	s1 =	rddreg [dreg:$0x1];
	p0 =	sne.s32 s2, $0x0  }
0xce: {  	s3 =	rddreg [dreg:$0x2];
	[bflag:$0x3] =	sbarrier.arrive $0xFFFF;
	s2 =	simm.s32 @!p0 $0x1C05  }
0xcf: {  	[timem:s3], [sflag:s2] =	dma.local @!p0 [hbm:s0], s1  }
0xd0: {  	s0 =	simm.s32 @!p0 $0x5  }
0xd1: {  	_ =	swait.ge @!p0 [sflag:s0], s1  }
0xd2: {  	s1 =	ssub.s32 @!p0 $0x0, s1;
	[sflag:s0] =	ssyncset.done @!p0 $0x0  }
0xd3: {  	[sflag:s0] =	ssyncadd.s32 @!p0 s1  }
0xd4: {  	[bflag:$0x3] =	sbarrier.arrive $0xFFFF  }
0xd5: {  	_ =	shalt  }

</sc_bundles>
